<compile_context>
chip_gen: v7x
topology: tpu7x:2x2x1
jax: 0.10.2.dev20260603
libtpu: 0.0.44.dev20260713+nightly
codegen_flags: <defaults>
</compile_context>

<pallas_src>
import functools

import jax
import jax.numpy as jnp
from jax import lax
from jax.experimental import pallas as pl
from jax.experimental.pallas import tpu as pltpu
from jax.experimental.pallas import tpu_sc as plsc

B = 8
L = 1024
N = B * L
D = 32
V = 8192
BLK = 1024
NBLK = V // BLK
LB = 8192
NL = N // LB
BPT = LB // L
COMMIT = 0.02
EPS = 1e-12

_SC_CORES = 2
_SC_SUBCORES = 16
_SC_WORKERS = _SC_CORES * _SC_SUBCORES
_RPW = N // _SC_WORKERS
_GRP = _RPW // 16


def _vq_body(x_ref, w_ref, idx_ref, bs_ref, nx_ref, bs, bi, xn_s):
    nb = pl.program_id(1)

    for bb in range(BPT):
        xb = x_ref[bb]
        xnsq = jnp.sum(xb * xb, axis=0, keepdims=True)
        nx = jnp.maximum(jnp.sqrt(xnsq), EPS)
        nx_ref[:, pl.ds(bb * L, L)] = nx
        xn_s[:, pl.ds(bb * L, L)] = xb / nx

    w = w_ref[...]
    wnsq = jnp.sum(w * w, axis=1, keepdims=True)
    nw = jnp.maximum(jnp.sqrt(wnsq), EPS)
    wn = w / nw

    s = lax.dot_general(wn, xn_s[...], (((1,), (0,)), ((), ())),
                        preferred_element_type=jnp.float32)

    smax = jnp.max(s, axis=0, keepdims=True)
    hit = s == smax
    rio = lax.broadcasted_iota(jnp.int32, (BLK, 1), 0).astype(jnp.float32)
    li = jnp.min(jnp.where(hit, rio, 1e9),
                 axis=0, keepdims=True)

    @pl.when(nb == 0)
    def _():
        bs[...] = jnp.full((1, LB), -jnp.inf, jnp.float32)
        bi[...] = jnp.zeros((1, LB), jnp.float32)

    upd = smax > bs[...]
    bs[...] = jnp.where(upd, smax, bs[...])
    bi[...] = jnp.where(upd, float(BLK) * nb + li, bi[...])

    @pl.when(nb == NBLK - 1)
    def _():
        idx_ref[...] = bi[...].astype(jnp.int32)
        bs_ref[...] = bs[...]


_vq_call = pl.pallas_call(
    _vq_body,
    grid=(NL, NBLK),
    in_specs=[
        pl.BlockSpec((BPT, D, L), lambda nl, nb: (nl, 0, 0)),
        pl.BlockSpec((BLK, D), lambda nl, nb: (nb, 0)),
    ],
    out_specs=[
        pl.BlockSpec((1, LB), lambda nl, nb: (0, nl)),
        pl.BlockSpec((1, LB), lambda nl, nb: (0, nl)),
        pl.BlockSpec((1, LB), lambda nl, nb: (0, nl)),
    ],
    out_shape=[
        jax.ShapeDtypeStruct((1, N), jnp.int32),
        jax.ShapeDtypeStruct((1, N), jnp.float32),
        jax.ShapeDtypeStruct((1, N), jnp.float32),
    ],
    scratch_shapes=[
        pltpu.VMEM((1, LB), jnp.float32),
        pltpu.VMEM((1, LB), jnp.float32),
        pltpu.VMEM((D, LB), jnp.float32),
    ],
    compiler_params=pltpu.CompilerParams(
        dimension_semantics=("arbitrary", "arbitrary")),
)


@functools.cache
def _make_sc_gather_loss():
    @functools.partial(
        pl.kernel,
        mesh=plsc.VectorSubcoreMesh(core_axis_name="c", subcore_axis_name="s"),
        out_type=jax.ShapeDtypeStruct((N, D), jnp.float32),
        scratch_types=[
            pltpu.VMEM((_RPW,), jnp.int32),
            pltpu.VMEM((_RPW, D), jnp.float32),
            pltpu.SemaphoreType.DMA,
        ],
        compiler_params=pltpu.CompilerParams(use_tc_tiling_on_sc=False),
    )
    def _sc_gather(w_hbm, idx_hbm, out_hbm, idx_v, rows_v, sem):
        wid = lax.axis_index("s") * _SC_CORES + lax.axis_index("c")
        base = wid * _RPW
        pltpu.sync_copy(idx_hbm.at[pl.ds(base, _RPW)], idx_v)
        pltpu.async_copy(w_hbm.at[idx_v], rows_v, sem).wait()
        pltpu.sync_copy(rows_v, out_hbm.at[pl.ds(base, _RPW)])

    return _sc_gather


def _loss_body(q_ref, cos_ref, nx_ref, loss_ref, qt_ref, lacc):
    b = pl.program_id(0)
    qb = q_ref[...]
    qt_ref[0] = lax.transpose(qb, (1, 0))
    qnsq = jnp.sum(qb * qb, axis=1, keepdims=True)
    nw = jnp.maximum(jnp.sqrt(qnsq), EPS)
    cos = cos_ref[...]
    nx = nx_ref[...]
    crossvec = nx * cos
    cross = lax.dot_general(crossvec, nw, (((1,), (0,)), ((), ())),
                            preferred_element_type=jnp.float32)
    total = jnp.sum(qnsq) - 2.0 * cross[0, 0] + jnp.sum(nx * nx)

    @pl.when(b == 0)
    def _():
        lacc[0] = 0.0

    lacc[0] += total

    @pl.when(b == B - 1)
    def _():
        loss_ref[0, 0] = lacc[0] * ((1.0 + COMMIT) / (N * D))


_loss_call = pl.pallas_call(
    _loss_body,
    grid=(B,),
    in_specs=[
        pl.BlockSpec((L, D), lambda b: (b, 0)),
        pl.BlockSpec((1, L), lambda b: (0, b)),
        pl.BlockSpec((1, L), lambda b: (0, b)),
    ],
    out_specs=[
        pl.BlockSpec(memory_space=pltpu.SMEM),
        pl.BlockSpec((1, D, L), lambda b: (b, 0, 0)),
    ],
    out_shape=[
        jax.ShapeDtypeStruct((1, 1), jnp.float32),
        jax.ShapeDtypeStruct((B, D, L), jnp.float32),
    ],
    scratch_shapes=[pltpu.SMEM((1,), jnp.float32)],
    compiler_params=pltpu.CompilerParams(
        dimension_semantics=("arbitrary",)),
)


def kernel(inputs, weight):
    idx_row, cos_row, nx_row = _vq_call(inputs, weight)
    idx_flat = idx_row.reshape(N)
    q = _make_sc_gather_loss()(weight, idx_flat)
    loss11, quantized_out = _loss_call(q, cos_row, nx_row)
    loss = loss11[0, 0]
    encoding_indices = idx_flat.reshape(N, 1)
    return (loss, quantized_out, encoding_indices)

# --- scband reference (transcript-rebuilt; emitter-appended) ---
"""Pipeline reference for scband-vector-quantizer-33079838114250 (READ-ONLY COPY).

The authoritative reference and input builder live on the scoring server;
editing this copy changes nothing except your own understanding.
"""

import jax, jax.numpy as jnp
import numpy as np

NUM_EMBEDDINGS = 8192
EMBEDDING_DIM = 32
COMMITMENT_COST = 0.02


def _normalize(x, eps=1e-12):
    n = jnp.linalg.norm(x, axis=-1, keepdims=True)
    return x / jnp.maximum(n, eps)


def setup_inputs(seed: int = 0):
    key = jax.random.key(seed)
    k1, k2 = jax.random.split(key)
    inputs = jax.random.normal(k1, (8, EMBEDDING_DIM, 1024), dtype=jnp.float32)
    weight = jax.random.uniform(k2, (NUM_EMBEDDINGS, EMBEDDING_DIM), dtype=jnp.float32,
                                minval=-1.0 / NUM_EMBEDDINGS, maxval=1.0 / NUM_EMBEDDINGS)
    return {"inputs": inputs, "weight": weight}


def reference(inputs, weight):
    # inputs: [B, D, L] -> permute to [B, L, D]
    x = jnp.transpose(inputs, (0, 2, 1))
    input_shape = x.shape
    flat = x.reshape(-1, EMBEDDING_DIM)
    flat_n = _normalize(flat)
    w_n = _normalize(weight)
    distances = 2.0 - 2.0 * jnp.matmul(flat_n, w_n.T)
    idx = jnp.argmin(distances, axis=1)
    encoding_indices = idx[:, None]
    quantized = jnp.take(weight, idx, axis=0).reshape(input_shape)
    e_latent_loss = jnp.mean((jax.lax.stop_gradient(quantized) - x) ** 2)
    q_latent_loss = jnp.mean((quantized - jax.lax.stop_gradient(x)) ** 2)
    loss = q_latent_loss + COMMITMENT_COST * e_latent_loss
    quantized_st = x + jax.lax.stop_gradient(quantized - x)
    quantized_out = jnp.transpose(quantized_st, (0, 2, 1))
    return (loss, quantized_out, encoding_indices)

if __name__ == "__main__":
    import jax
    _d = setup_inputs()
    print(jax.jit(kernel)(*tuple(_d.values())))

</pallas_src>

<mosaic_0001>
#map = affine_map<(d0, d1) -> (0, 0)>
#map1 = affine_map<(d0, d1) -> (0)>
module attributes {stable_mosaic.version = 14 : i64} {
  func.func @_sc_gather(%arg0: i32, %arg1: i32, %arg2: memref<8192x32xf32, #tpu.memory_space<hbm>>, %arg3: memref<8192xi32, #tpu.memory_space<hbm>>, %arg4: memref<8192x32xf32, #tpu.memory_space<hbm>>, %arg5: memref<256xi32, #tpu.memory_space<vmem>>, %arg6: memref<256x32xf32, #tpu.memory_space<vmem>>, %arg7: memref<!tpu.dma_semaphore, #tpu.memory_space<semaphore_mem>>) attributes {dimension_semantics = [#tpu.dimension_semantics<core_parallel>, #tpu.dimension_semantics<subcore_parallel>], iteration_bounds = array<i64: 2, 16>, scalar_prefetch = 0 : i64, scratch_operands = 3 : i64, tpu.core_type = #tpu.core_type<sc_vector_subcore>, window_params = [{transform_indices = #map}, {transform_indices = #map1}, {transform_indices = #map}]} {
    %mul3A = arith.constant 2 : i32
    %mul3A_0 = arith.muli %arg1, %mul3A : i32
    %add3A = arith.addi %mul3A_0, %arg0 : i32
    %mul3A_1 = arith.constant 256 : i32
    %mul3A_2 = arith.muli %add3A, %mul3A_1 : i32
    "tpu.region"() ({
      %run_scoped3A = tpu.sem_alloc : memref<!tpu.dma_semaphore, #tpu.memory_space<semaphore_mem>>
      %dma_start3A_7 = tpu.memref_slice %arg3[%mul3A_2] : memref<8192xi32, #tpu.memory_space<hbm>> -> memref<256xi32, #tpu.memory_space<hbm>>
      %dma_start3A_8 = tpu.memref_slice %arg3[%mul3A_2] : memref<8192xi32, #tpu.memory_space<hbm>> -> memref<256xi32, #tpu.memory_space<hbm>>
      tpu.enqueue_dma source(%dma_start3A_8 : memref<256xi32, #tpu.memory_space<hbm>>) target(%arg5 : memref<256xi32, #tpu.memory_space<vmem>>) target_semaphore(%run_scoped3A : memref<!tpu.dma_semaphore, #tpu.memory_space<semaphore_mem>>)
      %dma_wait3A_9 = tpu.memref_slice %arg3[%mul3A_2] : memref<8192xi32, #tpu.memory_space<hbm>> -> memref<256xi32, #tpu.memory_space<hbm>>
      %dma_wait3A_10 = tpu.memref_slice %arg3[%mul3A_2] : memref<8192xi32, #tpu.memory_space<hbm>> -> memref<256xi32, #tpu.memory_space<hbm>>
      tpu.wait_dma2 semaphore(%run_scoped3A : memref<!tpu.dma_semaphore, #tpu.memory_space<semaphore_mem>>) src(%dma_wait3A_10 : memref<256xi32, #tpu.memory_space<hbm>>) dst(%arg5 : memref<256xi32, #tpu.memory_space<vmem>>)
      tpu.yield
    }) : () -> ()
    %dma_start3A = arith.constant 0 : i32
    %dma_start3A_3 = arith.constant 0 : i32
    %dma_start3A_4 = tpu.memref_slice %arg2[%dma_start3A, %dma_start3A_3] : memref<8192x32xf32, #tpu.memory_space<hbm>> -> memref<8192x32xf32, #tpu.memory_space<hbm>>
    tpu.enqueue_indirect_dma source(%dma_start3A_4 : memref<8192x32xf32, #tpu.memory_space<hbm>>) target(%arg6 : memref<256x32xf32, #tpu.memory_space<vmem>>) offsets(%arg5 : memref<256xi32, #tpu.memory_space<vmem>>) semaphore(%arg7 : memref<!tpu.dma_semaphore, #tpu.memory_space<semaphore_mem>>)
    %dma_wait3A = arith.constant 0 : i32
    %dma_wait3A_5 = arith.constant 0 : i32
    %dma_wait3A_6 = tpu.memref_slice %arg2[%dma_wait3A, %dma_wait3A_5] : memref<8192x32xf32, #tpu.memory_space<hbm>> -> memref<8192x32xf32, #tpu.memory_space<hbm>>
    tpu.wait_indirect_dma semaphore(%arg7 : memref<!tpu.dma_semaphore, #tpu.memory_space<semaphore_mem>>) src(%dma_wait3A_6 : memref<8192x32xf32, #tpu.memory_space<hbm>>) dst(%arg6 : memref<256x32xf32, #tpu.memory_space<vmem>>)
    "tpu.region"() ({
      %run_scoped3A = tpu.sem_alloc : memref<!tpu.dma_semaphore, #tpu.memory_space<semaphore_mem>>
      %dma_start3A_7 = arith.constant 0 : i32
      %dma_start3A_8 = tpu.memref_slice %arg4[%mul3A_2, %dma_start3A_7] : memref<8192x32xf32, #tpu.memory_space<hbm>> -> memref<256x32xf32, #tpu.memory_space<hbm>>
      %dma_start3A_9 = arith.constant 0 : i32
      %dma_start3A_10 = tpu.memref_slice %arg4[%mul3A_2, %dma_start3A_9] : memref<8192x32xf32, #tpu.memory_space<hbm>> -> memref<256x32xf32, #tpu.memory_space<hbm>>
      tpu.enqueue_dma source(%arg6 : memref<256x32xf32, #tpu.memory_space<vmem>>) target(%dma_start3A_10 : memref<256x32xf32, #tpu.memory_space<hbm>>) target_semaphore(%run_scoped3A : memref<!tpu.dma_semaphore, #tpu.memory_space<semaphore_mem>>)
      %dma_wait3A_11 = arith.constant 0 : i32
      %dma_wait3A_12 = tpu.memref_slice %arg4[%mul3A_2, %dma_wait3A_11] : memref<8192x32xf32, #tpu.memory_space<hbm>> -> memref<256x32xf32, #tpu.memory_space<hbm>>
      %dma_wait3A_13 = arith.constant 0 : i32
      %dma_wait3A_14 = tpu.memref_slice %arg4[%mul3A_2, %dma_wait3A_13] : memref<8192x32xf32, #tpu.memory_space<hbm>> -> memref<256x32xf32, #tpu.memory_space<hbm>>
      tpu.wait_dma2 semaphore(%run_scoped3A : memref<!tpu.dma_semaphore, #tpu.memory_space<semaphore_mem>>) src(%arg6 : memref<256x32xf32, #tpu.memory_space<vmem>>) dst(%dma_wait3A_14 : memref<256x32xf32, #tpu.memory_space<hbm>>)
      tpu.yield
    }) : () -> ()
    return
  }
}

module attributes {stable_mosaic.version = 14 : i64} {
  func.func @_loss_body(%arg0: i32, %arg1: memref<1024x32xf32, #tpu.memory_space<vmem>>, %arg2: memref<1x1024xf32, #tpu.memory_space<vmem>>, %arg3: memref<1x1024xf32, #tpu.memory_space<vmem>>, %arg4: memref<1x1xf32, #tpu.memory_space<smem>>, %arg5: memref<1x32x1024xf32, #tpu.memory_space<vmem>>, %arg6: memref<1xf32, #tpu.memory_space<smem>>) attributes {dimension_semantics = [#tpu.dimension_semantics<arbitrary>], iteration_bounds = array<i64: 8>, scalar_prefetch = 0 : i64, scratch_operands = 1 : i64, tpu.core_type = #tpu.core_type<tc>, window_params = [{transform_indices = @transform_0, window_bounds = array<i64: 1024, 32>}, {transform_indices = @transform_1, window_bounds = array<i64: 1, 1024>}, {transform_indices = @transform_2, window_bounds = array<i64: 1, 1024>}, {transform_indices = @transform_3, window_bounds = array<i64: 1, 1>}, {transform_indices = @transform_4, window_bounds = array<i64: 1, 32, 1024>}]} {
    %get3A = arith.constant 0 : index
    %get3A_0 = arith.constant 0 : index
    %get3A_1 = vector.load %arg1[%get3A, %get3A_0] : memref<1024x32xf32, #tpu.memory_space<vmem>>, vector<1024x32xf32>
    %transpose3A = tpu.transpose %get3A_1, [1, 0] : vector<1024x32xf32> -> vector<32x1024xf32>
    %swap3A = arith.constant 0 : index
    %swap3A_2 = arith.constant 0 : index
    %swap3A_3 = arith.constant 0 : index
    %swap3A_4 = vector.load %arg5[%swap3A, %swap3A_2, %swap3A_3] : memref<1x32x1024xf32, #tpu.memory_space<vmem>>, vector<1x32x1024xf32>
    %swap3A_5 = vector.shape_cast %swap3A_4 : vector<1x32x1024xf32> to vector<32x1024xf32>
    %swap3A_6 = vector.shape_cast %transpose3A : vector<32x1024xf32> to vector<1x32x1024xf32>
    tpu.vector_store %arg5[%swap3A, %swap3A_2, %swap3A_3], %swap3A_6 {strides = array<i32>} : memref<1x32x1024xf32, #tpu.memory_space<vmem>>, vector<1x32x1024xf32>,
    %mul3A = arith.mulf %get3A_1, %get3A_1 : vector<1024x32xf32>
    %reduce_sum3A = arith.constant dense<0.000000e+00> : vector<1024xf32>
    %reduce_sum3A_7 = vector.multi_reduction <add>, %mul3A, %reduce_sum3A [1] : vector<1024x32xf32> to vector<1024xf32>
    %broadcast_in_dim3A = vector.shape_cast %reduce_sum3A_7 : vector<1024xf32> to vector<1024x1xf32>
    %sqrt3A = math.sqrt %broadcast_in_dim3A : vector<1024x1xf32>
    %max3A = arith.constant 9.99999996E-13 : f32
    %max3A_8 = vector.broadcast %max3A : f32 to vector<1024x1xf32>
    %max3A_9 = arith.maximumf %sqrt3A, %max3A_8 : vector<1024x1xf32>
    %get3A_10 = arith.constant 0 : index
    %get3A_11 = arith.constant 0 : index
    %get3A_12 = vector.load %arg2[%get3A_10, %get3A_11] : memref<1x1024xf32, #tpu.memory_space<vmem>>, vector<1x1024xf32>
    %get3A_13 = arith.constant 0 : index
    %get3A_14 = arith.constant 0 : index
    %get3A_15 = vector.load %arg3[%get3A_13, %get3A_14] : memref<1x1024xf32, #tpu.memory_space<vmem>>, vector<1x1024xf32>
    %mul3A_16 = arith.mulf %get3A_15, %get3A_12 : vector<1x1024xf32>
    %dot_general3A = arith.constant dense<0.000000e+00> : vector<1x1xf32>
    %dot_general3A_17 = tpu.matmul %mul3A_16, %max3A_9, %dot_general3A {dimension_numbers = #tpu.dot_dimension_numbers<[1], [0], [0], [1], [0, 0, 1, 1], [], []>, transpose_lhs_hint = false} : vector<1x1024xf32>, vector<1024x1xf32>, vector<1x1xf32> -> vector<1x1xf32>
    %reduce_sum3A_18 = vector.shape_cast %broadcast_in_dim3A : vector<1024x1xf32> to vector<1x1024x1xf32>
    %reduce_sum3A_19 = arith.constant dense<0.000000e+00> : vector<1xf32>
    %reduce_sum3A_20 = vector.multi_reduction <add>, %reduce_sum3A_18, %reduce_sum3A_19 [1, 2] : vector<1x1024x1xf32> to vector<1xf32>
    %reduce_sum3A_21 = vector.shape_cast %reduce_sum3A_20 : vector<1xf32> to vector<1x1x1xf32>
    %reduce_sum3A_22 = vector.extract %reduce_sum3A_21[0, 0, 0] : f32 from vector<1x1x1xf32>
    %squeeze3A = vector.extract %dot_general3A_17[0, 0] : f32 from vector<1x1xf32>
    %mul3A_23 = arith.constant 2.000000e+00 : f32
    %mul3A_24 = arith.mulf %mul3A_23, %squeeze3A : f32
    %sub3A = arith.subf %reduce_sum3A_22, %mul3A_24 : f32
    %mul3A_25 = arith.mulf %get3A_15, %get3A_15 : vector<1x1024xf32>
    %reduce_sum3A_26 = vector.shape_cast %mul3A_25 : vector<1x1024xf32> to vector<1x1x1024xf32>
    %reduce_sum3A_27 = arith.constant dense<0.000000e+00> : vector<1xf32>
    %reduce_sum3A_28 = vector.multi_reduction <add>, %reduce_sum3A_26, %reduce_sum3A_27 [1, 2] : vector<1x1x1024xf32> to vector<1xf32>
    %reduce_sum3A_29 = vector.shape_cast %reduce_sum3A_28 : vector<1xf32> to vector<1x1x1xf32>
    %reduce_sum3A_30 = vector.extract %reduce_sum3A_29[0, 0, 0] : f32 from vector<1x1x1xf32>
    %add3A = arith.addf %sub3A, %reduce_sum3A_30 : f32
    %eq3A = arith.constant 0 : i32
    %eq3A_31 = arith.cmpi eq, %arg0, %eq3A : i32
    %convert_element_type3A = arith.extui %eq3A_31 : i1 to i32
    %cond3A = arith.constant 0 : i32
    %cond3A_32 = arith.cmpi ne, %convert_element_type3A, %cond3A : i32
    scf.if %cond3A_32 {
      %swap3A_43 = arith.constant 0.000000e+00 : f32
      %swap3A_44 = arith.constant 0 : index
      %swap3A_45 = memref.load %arg6[%swap3A_44] : memref<1xf32, #tpu.memory_space<smem>>
      memref.store %swap3A_43, %arg6[%swap3A_44] : memref<1xf32, #tpu.memory_space<smem>>
    } else {
    }
    %get3A_33 = arith.constant 0 : index
    %get3A_34 = memref.load %arg6[%get3A_33] : memref<1xf32, #tpu.memory_space<smem>>
    %add3A_35 = arith.addf %get3A_34, %add3A : f32
    %swap3A_36 = arith.constant 0 : index
    %swap3A_37 = memref.load %arg6[%swap3A_36] : memref<1xf32, #tpu.memory_space<smem>>
    memref.store %add3A_35, %arg6[%swap3A_36] : memref<1xf32, #tpu.memory_space<smem>>
    %eq3A_38 = arith.constant 7 : i32
    %eq3A_39 = arith.cmpi eq, %arg0, %eq3A_38 : i32
    %convert_element_type3A_40 = arith.extui %eq3A_39 : i1 to i32
    %cond3A_41 = arith.constant 0 : i32
    %cond3A_42 = arith.cmpi ne, %convert_element_type3A_40, %cond3A_41 : i32
    scf.if %cond3A_42 {
      %get3A_43 = arith.constant 0 : index
      %get3A_44 = memref.load %arg6[%get3A_43] : memref<1xf32, #tpu.memory_space<smem>>
      %mul3A_45 = arith.constant 3.89099114E-6 : f32
      %mul3A_46 = arith.mulf %get3A_44, %mul3A_45 : f32
      %swap3A_47 = arith.constant 0 : index
      %swap3A_48 = arith.constant 0 : index
      %swap3A_49 = memref.load %arg4[%swap3A_47, %swap3A_48] : memref<1x1xf32, #tpu.memory_space<smem>>
      memref.store %mul3A_46, %arg4[%swap3A_47, %swap3A_48] : memref<1x1xf32, #tpu.memory_space<smem>>
    } else {
    }
    return
  }
  func.func @transform_0(%arg0: i32) -> (i32, i32) {
    %c0_i32 = arith.constant 0 : i32
    %c0_i32_0 = arith.constant 0 : i32
    return %arg0, %c0_i32 : i32, i32
  }
  func.func @transform_1(%arg0: i32) -> (i32, i32) {
    %c0_i32 = arith.constant 0 : i32
    %c0_i32_0 = arith.constant 0 : i32
    return %c0_i32, %arg0 : i32, i32
  }
  func.func @transform_2(%arg0: i32) -> (i32, i32) {
    %c0_i32 = arith.constant 0 : i32
    %c0_i32_0 = arith.constant 0 : i32
    return %c0_i32, %arg0 : i32, i32
  }
  func.func @transform_3(%arg0: i32) -> (i32, i32) {
    %c0_i32 = arith.constant 0 : i32
    %c0_i32_0 = arith.constant 0 : i32
    %c0_i32_1 = arith.constant 0 : i32
    return %c0_i32, %c0_i32_0 : i32, i32
  }
  func.func @transform_4(%arg0: i32) -> (i32, i32, i32) {
    %c0_i32 = arith.constant 0 : i32
    %c0_i32_0 = arith.constant 0 : i32
    %c0_i32_1 = arith.constant 0 : i32
    return %arg0, %c0_i32, %c0_i32_0 : i32, i32, i32
  }
}

module attributes {stable_mosaic.version = 14 : i64} {
  func.func @_vq_body(%arg0: i32, %arg1: i32, %arg2: memref<8x32x1024xf32, #tpu.memory_space<vmem>>, %arg3: memref<1024x32xf32, #tpu.memory_space<vmem>>, %arg4: memref<1x8192xi32, #tpu.memory_space<vmem>>, %arg5: memref<1x8192xf32, #tpu.memory_space<vmem>>, %arg6: memref<1x8192xf32, #tpu.memory_space<vmem>>, %arg7: memref<1x8192xf32, #tpu.memory_space<vmem>>, %arg8: memref<1x8192xf32, #tpu.memory_space<vmem>>, %arg9: memref<32x8192xf32, #tpu.memory_space<vmem>>) attributes {dimension_semantics = [#tpu.dimension_semantics<arbitrary>, #tpu.dimension_semantics<arbitrary>], iteration_bounds = array<i64: 1, 8>, scalar_prefetch = 0 : i64, scratch_operands = 3 : i64, tpu.core_type = #tpu.core_type<tc>, window_params = [{transform_indices = @transform_0, window_bounds = array<i64: 8, 32, 1024>}, {transform_indices = @transform_1, window_bounds = array<i64: 1024, 32>}, {transform_indices = @transform_2, window_bounds = array<i64: 1, 8192>}, {transform_indices = @transform_3, window_bounds = array<i64: 1, 8192>}, {transform_indices = @transform_4, window_bounds = array<i64: 1, 8192>}]} {
    %get3A = arith.constant 0 : index
    %get3A_0 = arith.constant 0 : index
    %get3A_1 = arith.constant 0 : index
    %get3A_2 = vector.load %arg2[%get3A, %get3A_0, %get3A_1] : memref<8x32x1024xf32, #tpu.memory_space<vmem>>, vector<1x32x1024xf32>
    %get3A_3 = vector.shape_cast %get3A_2 : vector<1x32x1024xf32> to vector<32x1024xf32>
    %mul3A = arith.mulf %get3A_3, %get3A_3 : vector<32x1024xf32>
    %reduce_sum3A = arith.constant dense<0.000000e+00> : vector<1024xf32>
    %reduce_sum3A_4 = vector.multi_reduction <add>, %mul3A, %reduce_sum3A [0] : vector<32x1024xf32> to vector<1024xf32>
    %broadcast_in_dim3A = vector.shape_cast %reduce_sum3A_4 : vector<1024xf32> to vector<1x1024xf32>
    %sqrt3A = math.sqrt %broadcast_in_dim3A : vector<1x1024xf32>
    %max3A = arith.constant 9.99999996E-13 : f32
    %max3A_5 = vector.broadcast %max3A : f32 to vector<1x1024xf32>
    %max3A_6 = arith.maximumf %sqrt3A, %max3A_5 : vector<1x1024xf32>
    %swap3A = arith.constant 0 : index
    %swap3A_7 = arith.constant 0 : index
    %swap3A_8 = vector.load %arg6[%swap3A, %swap3A_7] : memref<1x8192xf32, #tpu.memory_space<vmem>>, vector<1x1024xf32>
    tpu.vector_store %arg6[%swap3A, %swap3A_7], %max3A_6 {strides = array<i32>} : memref<1x8192xf32, #tpu.memory_space<vmem>>, vector<1x1024xf32>,
    %div3A = vector.broadcast %max3A_6 : vector<1x1024xf32> to vector<32x1024xf32>
    %div3A_9 = arith.divf %get3A_3, %div3A : vector<32x1024xf32>
    %swap3A_10 = arith.constant 0 : index
    %swap3A_11 = arith.constant 0 : index
    %swap3A_12 = vector.load %arg9[%swap3A_10, %swap3A_11] : memref<32x8192xf32, #tpu.memory_space<vmem>>, vector<32x1024xf32>
    tpu.vector_store %arg9[%swap3A_10, %swap3A_11], %div3A_9 {strides = array<i32>} : memref<32x8192xf32, #tpu.memory_space<vmem>>, vector<32x1024xf32>,
    %get3A_13 = arith.constant 1 : index
    %get3A_14 = arith.constant 0 : index
    %get3A_15 = arith.constant 0 : index
    %get3A_16 = vector.load %arg2[%get3A_13, %get3A_14, %get3A_15] : memref<8x32x1024xf32, #tpu.memory_space<vmem>>, vector<1x32x1024xf32>
    %get3A_17 = vector.shape_cast %get3A_16 : vector<1x32x1024xf32> to vector<32x1024xf32>
    %mul3A_18 = arith.mulf %get3A_17, %get3A_17 : vector<32x1024xf32>
    %reduce_sum3A_19 = arith.constant dense<0.000000e+00> : vector<1024xf32>
    %reduce_sum3A_20 = vector.multi_reduction <add>, %mul3A_18, %reduce_sum3A_19 [0] : vector<32x1024xf32> to vector<1024xf32>
    %broadcast_in_dim3A_21 = vector.shape_cast %reduce_sum3A_20 : vector<1024xf32> to vector<1x1024xf32>
    %sqrt3A_22 = math.sqrt %broadcast_in_dim3A_21 : vector<1x1024xf32>
    %max3A_23 = arith.constant 9.99999996E-13 : f32
    %max3A_24 = vector.broadcast %max3A_23 : f32 to vector<1x1024xf32>
    %max3A_25 = arith.maximumf %sqrt3A_22, %max3A_24 : vector<1x1024xf32>
    %swap3A_26 = arith.constant 0 : index
    %swap3A_27 = arith.constant 1024 : index
    %swap3A_28 = vector.load %arg6[%swap3A_26, %swap3A_27] : memref<1x8192xf32, #tpu.memory_space<vmem>>, vector<1x1024xf32>
    tpu.vector_store %arg6[%swap3A_26, %swap3A_27], %max3A_25 {strides = array<i32>} : memref<1x8192xf32, #tpu.memory_space<vmem>>, vector<1x1024xf32>,
    %div3A_29 = vector.broadcast %max3A_25 : vector<1x1024xf32> to vector<32x1024xf32>
    %div3A_30 = arith.divf %get3A_17, %div3A_29 : vector<32x1024xf32>
    %swap3A_31 = arith.constant 0 : index
    %swap3A_32 = arith.constant 1024 : index
    %swap3A_33 = vector.load %arg9[%swap3A_31, %swap3A_32] : memref<32x8192xf32, #tpu.memory_space<vmem>>, vector<32x1024xf32>
    tpu.vector_store %arg9[%swap3A_31, %swap3A_32], %div3A_30 {strides = array<i32>} : memref<32x8192xf32, #tpu.memory_space<vmem>>, vector<32x1024xf32>,
    %get3A_34 = arith.constant 2 : index
    %get3A_35 = arith.constant 0 : index
    %get3A_36 = arith.constant 0 : index
    %get3A_37 = vector.load %arg2[%get3A_34, %get3A_35, %get3A_36] : memref<8x32x1024xf32, #tpu.memory_space<vmem>>, vector<1x32x1024xf32>
    %get3A_38 = vector.shape_cast %get3A_37 : vector<1x32x1024xf32> to vector<32x1024xf32>
    %mul3A_39 = arith.mulf %get3A_38, %get3A_38 : vector<32x1024xf32>
    %reduce_sum3A_40 = arith.constant dense<0.000000e+00> : vector<1024xf32>
    %reduce_sum3A_41 = vector.multi_reduction <add>, %mul3A_39, %reduce_sum3A_40 [0] : vector<32x1024xf32> to vector<1024xf32>
    %broadcast_in_dim3A_42 = vector.shape_cast %reduce_sum3A_41 : vector<1024xf32> to vector<1x1024xf32>
    %sqrt3A_43 = math.sqrt %broadcast_in_dim3A_42 : vector<1x1024xf32>
    %max3A_44 = arith.constant 9.99999996E-13 : f32
    %max3A_45 = vector.broadcast %max3A_44 : f32 to vector<1x1024xf32>
    %max3A_46 = arith.maximumf %sqrt3A_43, %max3A_45 : vector<1x1024xf32>
    %swap3A_47 = arith.constant 0 : index
    %swap3A_48 = arith.constant 2048 : index
    %swap3A_49 = vector.load %arg6[%swap3A_47, %swap3A_48] : memref<1x8192xf32, #tpu.memory_space<vmem>>, vector<1x1024xf32>
    tpu.vector_store %arg6[%swap3A_47, %swap3A_48], %max3A_46 {strides = array<i32>} : memref<1x8192xf32, #tpu.memory_space<vmem>>, vector<1x1024xf32>,
    %div3A_50 = vector.broadcast %max3A_46 : vector<1x1024xf32> to vector<32x1024xf32>
    %div3A_51 = arith.divf %get3A_38, %div3A_50 : vector<32x1024xf32>
    %swap3A_52 = arith.constant 0 : index
    %swap3A_53 = arith.constant 2048 : index
    %swap3A_54 = vector.load %arg9[%swap3A_52, %swap3A_53] : memref<32x8192xf32, #tpu.memory_space<vmem>>, vector<32x1024xf32>
    tpu.vector_store %arg9[%swap3A_52, %swap3A_53], %div3A_51 {strides = array<i32>} : memref<32x8192xf32, #tpu.memory_space<vmem>>, vector<32x1024xf32>,
    %get3A_55 = arith.constant 3 : index
    %get3A_56 = arith.constant 0 : index
    %get3A_57 = arith.constant 0 : index
    %get3A_58 = vector.load %arg2[%get3A_55, %get3A_56, %get3A_57] : memref<8x32x1024xf32, #tpu.memory_space<vmem>>, vector<1x32x1024xf32>
    %get3A_59 = vector.shape_cast %get3A_58 : vector<1x32x1024xf32> to vector<32x1024xf32>
    %mul3A_60 = arith.mulf %get3A_59, %get3A_59 : vector<32x1024xf32>
    %reduce_sum3A_61 = arith.constant dense<0.000000e+00> : vector<1024xf32>
    %reduce_sum3A_62 = vector.multi_reduction <add>, %mul3A_60, %reduce_sum3A_61 [0] : vector<32x1024xf32> to vector<1024xf32>
    %broadcast_in_dim3A_63 = vector.shape_cast %reduce_sum3A_62 : vector<1024xf32> to vector<1x1024xf32>
    %sqrt3A_64 = math.sqrt %broadcast_in_dim3A_63 : vector<1x1024xf32>
    %max3A_65 = arith.constant 9.99999996E-13 : f32
    %max3A_66 = vector.broadcast %max3A_65 : f32 to vector<1x1024xf32>
    %max3A_67 = arith.maximumf %sqrt3A_64, %max3A_66 : vector<1x1024xf32>
    %swap3A_68 = arith.constant 0 : index
    %swap3A_69 = arith.constant 3072 : index
    %swap3A_70 = vector.load %arg6[%swap3A_68, %swap3A_69] : memref<1x8192xf32, #tpu.memory_space<vmem>>, vector<1x1024xf32>
    tpu.vector_store %arg6[%swap3A_68, %swap3A_69], %max3A_67 {strides = array<i32>} : memref<1x8192xf32, #tpu.memory_space<vmem>>, vector<1x1024xf32>,
    %div3A_71 = vector.broadcast %max3A_67 : vector<1x1024xf32> to vector<32x1024xf32>
    %div3A_72 = arith.divf %get3A_59, %div3A_71 : vector<32x1024xf32>
    %swap3A_73 = arith.constant 0 : index
    %swap3A_74 = arith.constant 3072 : index
    %swap3A_75 = vector.load %arg9[%swap3A_73, %swap3A_74] : memref<32x8192xf32, #tpu.memory_space<vmem>>, vector<32x1024xf32>
    tpu.vector_store %arg9[%swap3A_73, %swap3A_74], %div3A_72 {strides = array<i32>} : memref<32x8192xf32, #tpu.memory_space<vmem>>, vector<32x1024xf32>,
    %get3A_76 = arith.constant 4 : index
    %get3A_77 = arith.constant 0 : index
    %get3A_78 = arith.constant 0 : index
    %get3A_79 = vector.load %arg2[%get3A_76, %get3A_77, %get3A_78] : memref<8x32x1024xf32, #tpu.memory_space<vmem>>, vector<1x32x1024xf32>
    %get3A_80 = vector.shape_cast %get3A_79 : vector<1x32x1024xf32> to vector<32x1024xf32>
    %mul3A_81 = arith.mulf %get3A_80, %get3A_80 : vector<32x1024xf32>
    %reduce_sum3A_82 = arith.constant dense<0.000000e+00> : vector<1024xf32>
    %reduce_sum3A_83 = vector.multi_reduction <add>, %mul3A_81, %reduce_sum3A_82 [0] : vector<32x1024xf32> to vector<1024xf32>
    %broadcast_in_dim3A_84 = vector.shape_cast %reduce_sum3A_83 : vector<1024xf32> to vector<1x1024xf32>
    %sqrt3A_85 = math.sqrt %broadcast_in_dim3A_84 : vector<1x1024xf32>
    %max3A_86 = arith.constant 9.99999996E-13 : f32
    %max3A_87 = vector.broadcast %max3A_86 : f32 to vector<1x1024xf32>
    %max3A_88 = arith.maximumf %sqrt3A_85, %max3A_87 : vector<1x1024xf32>
    %swap3A_89 = arith.constant 0 : index
    %swap3A_90 = arith.constant 4096 : index
    %swap3A_91 = vector.load %arg6[%swap3A_89, %swap3A_90] : memref<1x8192xf32, #tpu.memory_space<vmem>>, vector<1x1024xf32>
    tpu.vector_store %arg6[%swap3A_89, %swap3A_90], %max3A_88 {strides = array<i32>} : memref<1x8192xf32, #tpu.memory_space<vmem>>, vector<1x1024xf32>,
    %div3A_92 = vector.broadcast %max3A_88 : vector<1x1024xf32> to vector<32x1024xf32>
    %div3A_93 = arith.divf %get3A_80, %div3A_92 : vector<32x1024xf32>
    %swap3A_94 = arith.constant 0 : index
    %swap3A_95 = arith.constant 4096 : index
    %swap3A_96 = vector.load %arg9[%swap3A_94, %swap3A_95] : memref<32x8192xf32, #tpu.memory_space<vmem>>, vector<32x1024xf32>
    tpu.vector_store %arg9[%swap3A_94, %swap3A_95], %div3A_93 {strides = array<i32>} : memref<32x8192xf32, #tpu.memory_space<vmem>>, vector<32x1024xf32>,
    %get3A_97 = arith.constant 5 : index
    %get3A_98 = arith.constant 0 : index
    %get3A_99 = arith.constant 0 : index
    %get3A_100 = vector.load %arg2[%get3A_97, %get3A_98, %get3A_99] : memref<8x32x1024xf32, #tpu.memory_space<vmem>>, vector<1x32x1024xf32>
    %get3A_101 = vector.shape_cast %get3A_100 : vector<1x32x1024xf32> to vector<32x1024xf32>
    %mul3A_102 = arith.mulf %get3A_101, %get3A_101 : vector<32x1024xf32>
    %reduce_sum3A_103 = arith.constant dense<0.000000e+00> : vector<1024xf32>
    %reduce_sum3A_104 = vector.multi_reduction <add>, %mul3A_102, %reduce_sum3A_103 [0] : vector<32x1024xf32> to vector<1024xf32>
    %broadcast_in_dim3A_105 = vector.shape_cast %reduce_sum3A_104 : vector<1024xf32> to vector<1x1024xf32>
    %sqrt3A_106 = math.sqrt %broadcast_in_dim3A_105 : vector<1x1024xf32>
    %max3A_107 = arith.constant 9.99999996E-13 : f32
    %max3A_108 = vector.broadcast %max3A_107 : f32 to vector<1x1024xf32>
    %max3A_109 = arith.maximumf %sqrt3A_106, %max3A_108 : vector<1x1024xf32>
    %swap3A_110 = arith.constant 0 : index
    %swap3A_111 = arith.constant 5120 : index
    %swap3A_112 = vector.load %arg6[%swap3A_110, %swap3A_111] : memref<1x8192xf32, #tpu.memory_space<vmem>>, vector<1x1024xf32>
    tpu.vector_store %arg6[%swap3A_110, %swap3A_111], %max3A_109 {strides = array<i32>} : memref<1x8192xf32, #tpu.memory_space<vmem>>, vector<1x1024xf32>,
    %div3A_113 = vector.broadcast %max3A_109 : vector<1x1024xf32> to vector<32x1024xf32>
    %div3A_114 = arith.divf %get3A_101, %div3A_113 : vector<32x1024xf32>
    %swap3A_115 = arith.constant 0 : index
    %swap3A_116 = arith.constant 5120 : index
    %swap3A_117 = vector.load %arg9[%swap3A_115, %swap3A_116] : memref<32x8192xf32, #tpu.memory_space<vmem>>, vector<32x1024xf32>
    tpu.vector_store %arg9[%swap3A_115, %swap3A_116], %div3A_114 {strides = array<i32>} : memref<32x8192xf32, #tpu.memory_space<vmem>>, vector<32x1024xf32>,
    %get3A_118 = arith.constant 6 : index
    %get3A_119 = arith.constant 0 : index
    %get3A_120 = arith.constant 0 : index
    %get3A_121 = vector.load %arg2[%get3A_118, %get3A_119, %get3A_120] : memref<8x32x1024xf32, #tpu.memory_space<vmem>>, vector<1x32x1024xf32>
    %get3A_122 = vector.shape_cast %get3A_121 : vector<1x32x1024xf32> to vector<32x1024xf32>
    %mul3A_123 = arith.mulf %get3A_122, %get3A_122 : vector<32x1024xf32>
    %reduce_sum3A_124 = arith.constant dense<0.000000e+00> : vector<1024xf32>
    %reduce_sum3A_125 = vector.multi_reduction <add>, %mul3A_123, %reduce_sum3A_124 [0] : vector<32x1024xf32> to vector<1024xf32>
    %broadcast_in_dim3A_126 = vector.shape_cast %reduce_sum3A_125 : vector<1024xf32> to vector<1x1024xf32>
    %sqrt3A_127 = math.sqrt %broadcast_in_dim3A_126 : vector<1x1024xf32>
    %max3A_128 = arith.constant 9.99999996E-13 : f32
    %max3A_129 = vector.broadcast %max3A_128 : f32 to vector<1x1024xf32>
    %max3A_130 = arith.maximumf %sqrt3A_127, %max3A_129 : vector<1x1024xf32>
    %swap3A_131 = arith.constant 0 : index
    %swap3A_132 = arith.constant 6144 : index
    %swap3A_133 = vector.load %arg6[%swap3A_131, %swap3A_132] : memref<1x8192xf32, #tpu.memory_space<vmem>>, vector<1x1024xf32>
    tpu.vector_store %arg6[%swap3A_131, %swap3A_132], %max3A_130 {strides = array<i32>} : memref<1x8192xf32, #tpu.memory_space<vmem>>, vector<1x1024xf32>,
    %div3A_134 = vector.broadcast %max3A_130 : vector<1x1024xf32> to vector<32x1024xf32>
    %div3A_135 = arith.divf %get3A_122, %div3A_134 : vector<32x1024xf32>
    %swap3A_136 = arith.constant 0 : index
    %swap3A_137 = arith.constant 6144 : index
    %swap3A_138 = vector.load %arg9[%swap3A_136, %swap3A_137] : memref<32x8192xf32, #tpu.memory_space<vmem>>, vector<32x1024xf32>
    tpu.vector_store %arg9[%swap3A_136, %swap3A_137], %div3A_135 {strides = array<i32>} : memref<32x8192xf32, #tpu.memory_space<vmem>>, vector<32x1024xf32>,
    %get3A_139 = arith.constant 7 : index
    %get3A_140 = arith.constant 0 : index
    %get3A_141 = arith.constant 0 : index
    %get3A_142 = vector.load %arg2[%get3A_139, %get3A_140, %get3A_141] : memref<8x32x1024xf32, #tpu.memory_space<vmem>>, vector<1x32x1024xf32>
    %get3A_143 = vector.shape_cast %get3A_142 : vector<1x32x1024xf32> to vector<32x1024xf32>
    %mul3A_144 = arith.mulf %get3A_143, %get3A_143 : vector<32x1024xf32>
    %reduce_sum3A_145 = arith.constant dense<0.000000e+00> : vector<1024xf32>
    %reduce_sum3A_146 = vector.multi_reduction <add>, %mul3A_144, %reduce_sum3A_145 [0] : vector<32x1024xf32> to vector<1024xf32>
    %broadcast_in_dim3A_147 = vector.shape_cast %reduce_sum3A_146 : vector<1024xf32> to vector<1x1024xf32>
    %sqrt3A_148 = math.sqrt %broadcast_in_dim3A_147 : vector<1x1024xf32>
    %max3A_149 = arith.constant 9.99999996E-13 : f32
    %max3A_150 = vector.broadcast %max3A_149 : f32 to vector<1x1024xf32>
    %max3A_151 = arith.maximumf %sqrt3A_148, %max3A_150 : vector<1x1024xf32>
    %swap3A_152 = arith.constant 0 : index
    %swap3A_153 = arith.constant 7168 : index
    %swap3A_154 = vector.load %arg6[%swap3A_152, %swap3A_153] : memref<1x8192xf32, #tpu.memory_space<vmem>>, vector<1x1024xf32>
    tpu.vector_store %arg6[%swap3A_152, %swap3A_153], %max3A_151 {strides = array<i32>} : memref<1x8192xf32, #tpu.memory_space<vmem>>, vector<1x1024xf32>,
    %div3A_155 = vector.broadcast %max3A_151 : vector<1x1024xf32> to vector<32x1024xf32>
    %div3A_156 = arith.divf %get3A_143, %div3A_155 : vector<32x1024xf32>
    %swap3A_157 = arith.constant 0 : index
    %swap3A_158 = arith.constant 7168 : index
    %swap3A_159 = vector.load %arg9[%swap3A_157, %swap3A_158] : memref<32x8192xf32, #tpu.memory_space<vmem>>, vector<32x1024xf32>
    tpu.vector_store %arg9[%swap3A_157, %swap3A_158], %div3A_156 {strides = array<i32>} : memref<32x8192xf32, #tpu.memory_space<vmem>>, vector<32x1024xf32>,
    %get3A_160 = arith.constant 0 : index
    %get3A_161 = arith.constant 0 : index
    %get3A_162 = vector.load %arg3[%get3A_160, %get3A_161] : memref<1024x32xf32, #tpu.memory_space<vmem>>, vector<1024x32xf32>
    %mul3A_163 = arith.mulf %get3A_162, %get3A_162 : vector<1024x32xf32>
    %reduce_sum3A_164 = arith.constant dense<0.000000e+00> : vector<1024xf32>
    %reduce_sum3A_165 = vector.multi_reduction <add>, %mul3A_163, %reduce_sum3A_164 [1] : vector<1024x32xf32> to vector<1024xf32>
    %broadcast_in_dim3A_166 = vector.shape_cast %reduce_sum3A_165 : vector<1024xf32> to vector<1024x1xf32>
    %sqrt3A_167 = math.sqrt %broadcast_in_dim3A_166 : vector<1024x1xf32>
    %max3A_168 = arith.constant 9.99999996E-13 : f32
    %max3A_169 = vector.broadcast %max3A_168 : f32 to vector<1024x1xf32>
    %max3A_170 = arith.maximumf %sqrt3A_167, %max3A_169 : vector<1024x1xf32>
    %div3A_171 = vector.broadcast %max3A_170 : vector<1024x1xf32> to vector<1024x32xf32>
    %div3A_172 = arith.divf %get3A_162, %div3A_171 : vector<1024x32xf32>
    %get3A_173 = arith.constant 0 : index
    %get3A_174 = arith.constant 0 : index
    %get3A_175 = vector.load %arg9[%get3A_173, %get3A_174] : memref<32x8192xf32, #tpu.memory_space<vmem>>, vector<32x8192xf32>
    %dot_general3A = arith.constant dense<0.000000e+00> : vector<1024x8192xf32>
    %dot_general3A_176 = tpu.matmul %div3A_172, %get3A_175, %dot_general3A {dimension_numbers = #tpu.dot_dimension_numbers<[1], [0], [0], [1], [0, 0, 1, 1], [], []>, transpose_lhs_hint = false} : vector<1024x32xf32>, vector<32x8192xf32>, vector<1024x8192xf32> -> vector<1024x8192xf32>
    %reduce_max3A = arith.constant dense<0xFF800000> : vector<8192xf32>
    %reduce_max3A_177 = vector.multi_reduction <maximumf>, %dot_general3A_176, %reduce_max3A [0] : vector<1024x8192xf32> to vector<8192xf32>
    %broadcast_in_dim3A_178 = vector.shape_cast %reduce_max3A_177 : vector<8192xf32> to vector<1x8192xf32>
    %eq3A = vector.broadcast %broadcast_in_dim3A_178 : vector<1x8192xf32> to vector<1024x8192xf32>
    %eq3A_179 = arith.cmpf oeq, %dot_general3A_176, %eq3A : vector<1024x8192xf32>
    %iota3A = tpu.iota {dimensions = array<i32: 0>} : vector<1024x1xi32>
    %convert_element_type3A = arith.sitofp %iota3A : vector<1024x1xi32> to vector<1024x1xf32>
    %jit3A = arith.constant 1.000000e+09 : f32
    %broadcast_in_dim3A_180 = vector.shape_cast %convert_element_type3A : vector<1024x1xf32> to vector<1024x1xf32>
    %broadcast_in_dim3A_181 = vector.broadcast %broadcast_in_dim3A_180 : vector<1024x1xf32> to vector<1024x8192xf32>
    %broadcast_in_dim3A_182 = vector.broadcast %jit3A : f32 to vector<1024x8192xf32>
    %select_n3A = arith.select %eq3A_179, %broadcast_in_dim3A_181, %broadcast_in_dim3A_182 : vector<1024x8192xi1>, vector<1024x8192xf32>
    %reduce_min3A = arith.constant dense<0x7F800000> : vector<8192xf32>
    %reduce_min3A_183 = vector.multi_reduction <minimumf>, %select_n3A, %reduce_min3A [0] : vector<1024x8192xf32> to vector<8192xf32>
    %broadcast_in_dim3A_184 = vector.shape_cast %reduce_min3A_183 : vector<8192xf32> to vector<1x8192xf32>
    %eq3A_185 = arith.constant 0 : i32
    %eq3A_186 = arith.cmpi eq, %arg1, %eq3A_185 : i32
    %convert_element_type3A_187 = arith.extui %eq3A_186 : i1 to i32
    %cond3A = arith.constant 0 : i32
    %cond3A_188 = arith.cmpi ne, %convert_element_type3A_187, %cond3A : i32
    scf.if %cond3A_188 {
      %broadcast_in_dim3A_215 = arith.constant 0xFF800000 : f32
      %broadcast_in_dim3A_216 = vector.broadcast %broadcast_in_dim3A_215 : f32 to vector<1x8192xf32>
      %swap3A_217 = arith.constant 0 : index
      %swap3A_218 = arith.constant 0 : index
      %swap3A_219 = vector.load %arg7[%swap3A_217, %swap3A_218] : memref<1x8192xf32, #tpu.memory_space<vmem>>, vector<1x8192xf32>
      tpu.vector_store %arg7[%swap3A_217, %swap3A_218], %broadcast_in_dim3A_216 {strides = array<i32>} : memref<1x8192xf32, #tpu.memory_space<vmem>>, vector<1x8192xf32>,
      %broadcast_in_dim3A_220 = arith.constant 0.000000e+00 : f32
      %broadcast_in_dim3A_221 = vector.broadcast %broadcast_in_dim3A_220 : f32 to vector<1x8192xf32>
      %swap3A_222 = arith.constant 0 : index
      %swap3A_223 = arith.constant 0 : index
      %swap3A_224 = vector.load %arg8[%swap3A_222, %swap3A_223] : memref<1x8192xf32, #tpu.memory_space<vmem>>, vector<1x8192xf32>
      tpu.vector_store %arg8[%swap3A_222, %swap3A_223], %broadcast_in_dim3A_221 {strides = array<i32>} : memref<1x8192xf32, #tpu.memory_space<vmem>>, vector<1x8192xf32>,
    } else {
    }
    %get3A_189 = arith.constant 0 : index
    %get3A_190 = arith.constant 0 : index
    %get3A_191 = vector.load %arg7[%get3A_189, %get3A_190] : memref<1x8192xf32, #tpu.memory_space<vmem>>, vector<1x8192xf32>
    %gt3A = arith.cmpf ogt, %broadcast_in_dim3A_178, %get3A_191 : vector<1x8192xf32>
    %get3A_192 = arith.constant 0 : index
    %get3A_193 = arith.constant 0 : index
    %get3A_194 = vector.load %arg7[%get3A_192, %get3A_193] : memref<1x8192xf32, #tpu.memory_space<vmem>>, vector<1x8192xf32>
    %select_n3A_195 = arith.select %gt3A, %broadcast_in_dim3A_178, %get3A_194 : vector<1x8192xi1>, vector<1x8192xf32>
    %swap3A_196 = arith.constant 0 : index
    %swap3A_197 = arith.constant 0 : index
    %swap3A_198 = vector.load %arg7[%swap3A_196, %swap3A_197] : memref<1x8192xf32, #tpu.memory_space<vmem>>, vector<1x8192xf32>
    tpu.vector_store %arg7[%swap3A_196, %swap3A_197], %select_n3A_195 {strides = array<i32>} : memref<1x8192xf32, #tpu.memory_space<vmem>>, vector<1x8192xf32>,
    %convert_element_type3A_199 = arith.sitofp %arg1 : i32 to f32
    %mul3A_200 = arith.constant 1.024000e+03 : f32
    %mul3A_201 = arith.mulf %mul3A_200, %convert_element_type3A_199 : f32
    %add3A = vector.broadcast %mul3A_201 : f32 to vector<1x8192xf32>
    %add3A_202 = arith.addf %add3A, %broadcast_in_dim3A_184 : vector<1x8192xf32>
    %get3A_203 = arith.constant 0 : index
    %get3A_204 = arith.constant 0 : index
    %get3A_205 = vector.load %arg8[%get3A_203, %get3A_204] : memref<1x8192xf32, #tpu.memory_space<vmem>>, vector<1x8192xf32>
    %select_n3A_206 = arith.select %gt3A, %add3A_202, %get3A_205 : vector<1x8192xi1>, vector<1x8192xf32>
    %swap3A_207 = arith.constant 0 : index
    %swap3A_208 = arith.constant 0 : index
    %swap3A_209 = vector.load %arg8[%swap3A_207, %swap3A_208] : memref<1x8192xf32, #tpu.memory_space<vmem>>, vector<1x8192xf32>
    tpu.vector_store %arg8[%swap3A_207, %swap3A_208], %select_n3A_206 {strides = array<i32>} : memref<1x8192xf32, #tpu.memory_space<vmem>>, vector<1x8192xf32>,
    %eq3A_210 = arith.constant 7 : i32
    %eq3A_211 = arith.cmpi eq, %arg1, %eq3A_210 : i32
    %convert_element_type3A_212 = arith.extui %eq3A_211 : i1 to i32
    %cond3A_213 = arith.constant 0 : i32
    %cond3A_214 = arith.cmpi ne, %convert_element_type3A_212, %cond3A_213 : i32
    scf.if %cond3A_214 {
      %get3A_215 = arith.constant 0 : index
      %get3A_216 = arith.constant 0 : index
      %get3A_217 = vector.load %arg8[%get3A_215, %get3A_216] : memref<1x8192xf32, #tpu.memory_space<vmem>>, vector<1x8192xf32>
      %convert_element_type3A_218 = arith.fptosi %get3A_217 : vector<1x8192xf32> to vector<1x8192xi32>
      %swap3A_219 = arith.constant 0 : index
      %swap3A_220 = arith.constant 0 : index
      %swap3A_221 = vector.load %arg4[%swap3A_219, %swap3A_220] : memref<1x8192xi32, #tpu.memory_space<vmem>>, vector<1x8192xi32>
      tpu.vector_store %arg4[%swap3A_219, %swap3A_220], %convert_element_type3A_218 {strides = array<i32>} : memref<1x8192xi32, #tpu.memory_space<vmem>>, vector<1x8192xi32>,
      %get3A_222 = arith.constant 0 : index
      %get3A_223 = arith.constant 0 : index
      %get3A_224 = vector.load %arg7[%get3A_222, %get3A_223] : memref<1x8192xf32, #tpu.memory_space<vmem>>, vector<1x8192xf32>
      %swap3A_225 = arith.constant 0 : index
      %swap3A_226 = arith.constant 0 : index
      %swap3A_227 = vector.load %arg5[%swap3A_225, %swap3A_226] : memref<1x8192xf32, #tpu.memory_space<vmem>>, vector<1x8192xf32>
      tpu.vector_store %arg5[%swap3A_225, %swap3A_226], %get3A_224 {strides = array<i32>} : memref<1x8192xf32, #tpu.memory_space<vmem>>, vector<1x8192xf32>,
    } else {
    }
    return
  }
  func.func @transform_0(%arg0: i32, %arg1: i32) -> (i32, i32, i32) {
    %c0_i32 = arith.constant 0 : i32
    %c0_i32_0 = arith.constant 0 : i32
    %c0_i32_1 = arith.constant 0 : i32
    return %arg0, %c0_i32, %c0_i32_0 : i32, i32, i32
  }
  func.func @transform_1(%arg0: i32, %arg1: i32) -> (i32, i32) {
    %c0_i32 = arith.constant 0 : i32
    %c0_i32_0 = arith.constant 0 : i32
    return %arg1, %c0_i32 : i32, i32
  }
  func.func @transform_2(%arg0: i32, %arg1: i32) -> (i32, i32) {
    %c0_i32 = arith.constant 0 : i32
    %c0_i32_0 = arith.constant 0 : i32
    return %c0_i32, %arg0 : i32, i32
  }
  func.func @transform_3(%arg0: i32, %arg1: i32) -> (i32, i32) {
    %c0_i32 = arith.constant 0 : i32
    %c0_i32_0 = arith.constant 0 : i32
    return %c0_i32, %arg0 : i32, i32
  }
  func.func @transform_4(%arg0: i32, %arg1: i32) -> (i32, i32) {
    %c0_i32 = arith.constant 0 : i32
    %c0_i32_0 = arith.constant 0 : i32
    return %c0_i32, %arg0 : i32, i32
  }
}

</mosaic_0001>

<sc_bundles>
// kernel: kernel.5.cloned.1.call-start
scs
__scs_entry_jumppad:
0x0: {  	(pc) =	sbr.rel $0x88, $3  }
0x1: {  	(tag) =	ssettag $0x0;
	lr =	simm.s32 $0x1  }
0x2: {  	[smem:$0x3F9F] =	sst lr;
	_ =	strace $0xD0000000  }
0x3: {  	_ = 	snop  }
0x4: {  	_ = 	snop  }
0x5: {  	_ = 	snop  }
0x6: {  	_ = 	snop  }
0x7: {  	_ = 	snop  }
__scs_overlays_trampoline_lowered:
0x8: {  	[smem:$0x3FAE] =	sst s0  }
0x9: {  	[smem:$0x3FAF] =	sst s1  }
0xa: {  	[smem:$0x3FB0] =	sst s2  }
0xb: {  	[smem:$0x3FB1] =	sst s3  }
0xc: {  	[smem:$0x3FB2] =	sst s4  }
0xd: {  	[smem:$0x3FB3] =	sst s5  }
0xe: {  	[smem:$0x3FB4] =	sst s6  }
0xf: {  	[smem:$0x3FB5] =	sst s7  }
0x10: {  	[smem:$0x3FB6] =	sst s8  }
0x11: {  	[smem:$0x3FB7] =	sst s9;
	s0 =	simm.s32 @!p0 $0x0  }
0x12: {  	s1 =	sld [smem:$0x3F9D];
	s0 =	simm.s32 @p0 $0x1  }
0x13: {  	[smem:$0x3FB8] =	sst s0;
	s0 =	simm.s32 @!p1 $0x0  }
0x14: {  	s2 =	sld [smem:$0x3F9C];
	s0 =	simm.s32 @p1 $0x1  }
0x15: {  	[smem:$0x3FB9] =	sst s0;
	s0 =	simm.s32 @!p2 $0x0  }
0x16: {  	s3 =	sld [smem:$0x3FDB];
	s0 =	simm.s32 @p2 $0x1  }
0x17: {  	s4 =	simm.s32 $0x1BF5;
	[smem:$0x3FBB] =	sst s0  }
0x18: {  	s0 =	sld [smem:$0x3F9E];
	_ =	swait.ge [sflag:s4], $0x0  }
0x19: {  	s7 =	sld [smem:$0x3F9F]  }
0x1a: {  	s8 =	sadd.s32 $0xFFFFE003, lr  }
0x1b: {  	s9 =	sadd.s32 $0xFFFFFEF7, lr;
	s5 =	simm.s32 $0xFFFFFFFF;
	p2 =	slt.u32 s8, $0xFFFFF086  }
0x1c: {  	p1 =	slt.u32 s9, $0xF7A;
	s5 =	simm.s32 @!p2 $0x0  }
0x1d: {  	s5 =	simm.s32 @p1 $0x1;
	p0 =	seq.s32 s7, s2  }
0x1e: {  	s7 =	smul.u32 @!p0 $0xF7A, s2;
	p2 =	seq.s32 @!p0 s5, $0x0  }
0x1f: {  	s9 =	smul.u32 $0xF7A, s1;
	s8 =	simm.s32 @!p0 $0x1BF5;
	p2 =	por !p2, p0  }
0x20: {  	[sflag:s8] =	ssyncset.s32 @!p0 $0xFFFFF086;
	s6 =	sadd.s32 @!p0 s3, s7;
	s7 =	simm.s32 @!p0 $0x108  }
0x21: {  	s3 =	sadd.s32 s3, s9;
	s6 =	sadd.s32 @!p0 $0x88, s6;
	s7 =	simm.s32 @p2 $0x1082  }
0x22: {  	[simem:s7], [sflag:s8] =	dma.local @!p0 [hbm:s6], $0xF7A  }
0x23: {  	s9 =	sor.u32 $0xD0000000, s2;
	s6 =	simm.s32 $0x108;
	_ =	swait.ge @!p0 [sflag:s8], $0x0  }
0x24: {  	s3 =	sadd.s32 $0x88, s3;
	s6 =	simm.s32 @!p1 $0x1082;
	[sflag:s4] =	ssyncset.s32 $0xFFFFF086  }
0x25: {  	[simem:s6], [sflag:s4] =	dma.local [hbm:s3], $0xF7A  }
0x26: {  	[smem:$0x3F9F] =	sst s1;
	(tag) =	ssettag s2;
	_ =	strace s9  }
0x27: {  	s1 =	sld [smem:$0x3FAF]  }
0x28: {  	s2 =	sld [smem:$0x3FB0]  }
0x29: {  	s4 =	sld [smem:$0x3FB2]  }
0x2a: {  	p0 =	seq.s32 s5, $0x0;
	s5 =	sld [smem:$0x3FB3]  }
0x2b: {  	s6 =	sld [smem:$0x3FB4]  }
0x2c: {  	s7 =	sld [smem:$0x3FB5]  }
0x2d: {  	s3 =	simm.s32 $0x108;
	s8 =	sld [smem:$0x3FB6]  }
0x2e: {  	s3 =	simm.s32 @!p0 $0x1082;
	s9 =	sld [smem:$0x3FB7]  }
0x2f: {  	lr =	sadd.s32 s0, s3;
	s0 =	sld [smem:$0x3FAE]  }
0x30: {  	s3 =	sld [smem:$0x3FB1]  }
0x31: {  	[smem:$0x3FBA] =	sst s10  }
0x32: {  	s10 =	sld [smem:$0x3FB8];
	_ =	sdelay $0x3  }
0x33: {  	p0 =	seq.s32 s10, $0x1;
	s10 =	sld [smem:$0x3FBA];
	_ =	sdelay $0x3  }
0x34: {  	[smem:$0x3FBA] =	sst s10  }
0x35: {  	s10 =	sld [smem:$0x3FB9];
	_ =	sdelay $0x3  }
0x36: {  	p1 =	seq.s32 s10, $0x1;
	s10 =	sld [smem:$0x3FBA];
	_ =	sdelay $0x3  }
0x37: {  	[smem:$0x3FBA] =	sst s10  }
0x38: {  	s10 =	sld [smem:$0x3FBB]  }
0x39: {  	_ = 	snop;
	(pc) =	sbr.ind lr, $3  }
0x3a: {  	_ = 	snop  }
0x3b: {  	_ = 	snop  }
0x3c: {  	p2 =	seq.s32 s10, $0x1;
	s10 =	sld [smem:$0x3FBA]  }
0x3d: {  	_ =	shalt  }
0x3e: {  	_ =	shalt  }
0x3f: {  	_ =	shalt  }
0x40: {  	_ =	shalt  }
0x41: {  	_ =	shalt  }
0x42: {  	_ =	shalt  }
0x43: {  	_ =	shalt  }
0x44: {  	_ =	shalt  }
0x45: {  	_ =	shalt  }
0x46: {  	_ =	shalt  }
0x47: {  	_ =	shalt  }
0x48: {  	_ =	shalt  }
0x49: {  	_ =	shalt  }
0x4a: {  	_ =	shalt  }
0x4b: {  	_ =	shalt  }
0x4c: {  	_ =	shalt  }
0x4d: {  	_ =	shalt  }
0x4e: {  	_ =	shalt  }
0x4f: {  	_ =	shalt  }
0x50: {  	_ =	shalt  }
0x51: {  	_ =	shalt  }
0x52: {  	_ =	shalt  }
0x53: {  	_ =	shalt  }
0x54: {  	_ =	shalt  }
0x55: {  	_ =	shalt  }
0x56: {  	_ =	shalt  }
0x57: {  	_ =	shalt  }
0x58: {  	_ =	shalt  }
0x59: {  	_ =	shalt  }
0x5a: {  	_ =	shalt  }
0x5b: {  	_ =	shalt  }
0x5c: {  	_ =	shalt  }
0x5d: {  	_ =	shalt  }
0x5e: {  	_ =	shalt  }
0x5f: {  	_ =	shalt  }
0x60: {  	_ =	shalt  }
0x61: {  	_ =	shalt  }
0x62: {  	_ =	shalt  }
0x63: {  	_ =	shalt  }
0x64: {  	_ =	shalt  }
0x65: {  	_ =	shalt  }
0x66: {  	_ =	shalt  }
0x67: {  	_ =	shalt  }
0x68: {  	_ =	shalt  }
0x69: {  	_ =	shalt  }
0x6a: {  	_ =	shalt  }
0x6b: {  	_ =	shalt  }
0x6c: {  	_ =	shalt  }
0x6d: {  	_ =	shalt  }
0x6e: {  	_ =	shalt  }
0x6f: {  	_ =	shalt  }
0x70: {  	_ =	shalt  }
0x71: {  	_ =	shalt  }
0x72: {  	_ =	shalt  }
0x73: {  	_ =	shalt  }
0x74: {  	_ =	shalt  }
0x75: {  	_ =	shalt  }
0x76: {  	_ =	shalt  }
0x77: {  	_ =	shalt  }
0x78: {  	_ =	shalt  }
0x79: {  	_ =	shalt  }
0x7a: {  	_ =	shalt  }
0x7b: {  	_ =	shalt  }
0x7c: {  	_ =	shalt  }
0x7d: {  	_ =	shalt  }
0x7e: {  	_ =	shalt  }
0x7f: {  	_ =	shalt  }
0x80: {  	_ =	shalt  }
0x81: {  	_ =	shalt  }
0x82: {  	_ =	shalt  }
0x83: {  	_ =	shalt  }
0x84: {  	_ =	shalt  }
0x85: {  	_ =	shalt  }
0x86: {  	_ =	shalt  }
0x87: {  	_ =	shalt  }
.Lfunc_end0:
.L_simem_size_0:
called_computation_lowered:
.L_overlay_start_0:
0x88: {  	s2 =	sld [smem:$0x3FD9]  }
0x89: {  	s3 =	sld [smem:$0x3FFE];
	_ =	sdelay $0x1  }
0x8a: {  	s1 =	srdreg.scid  }
0x8b: {  	s0 =	sand.u32 $0x1, s1  }
0x8c: {  	s14 =	sshll.u32 s0, $0xA;
	s2 =	sadd.s32 s3, s2  }
0x8d: {  	s2 =	sadd.s32 s2, s14  }
0x8e: {  	[smem:$0x3FC6] =	sst s2  }
0x8f: {  	_ = 	snop  }
0x90: {  	s2 =	sld [smem:$0x3FD0];
	_ =	sdelay $0x2  }
0x91: {  	s15 =	simm.s32 $0xA;
	s4 =	simm.s32 $0x10  }
0x92: {  	[smem:s4], [sflag:s15] =	dma.local [hbm:s2], $0x1  }
0x93: {  	_ =	swait.eq [sflag:s15], $0x1  }
0x94: {  	[sflag:s15] =	ssyncset.done $0x0  }
0x95: {  	s16 =	sld [smem:$0x11];
	[sflag:s15] =	ssyncadd.s32 $0xFFFFFFFF  }
0x96: {  	s17 =	sld [smem:$0x12];
	(tm) =	ssettm $0x1  }
0x97: {  	s18 =	sld [smem:$0x3FFB];
	_ =	sdelay $0x3  }
0x98: {  	_ =	strace s18  }
0x99: {  	s4 =	sld [smem:$0x3FFC];
	_ =	sdelay $0x3  }
0x9a: {  	_ =	strace s4  }
0x9b: {  	s4 =	sld [smem:$0x3FFD];
	_ =	sdelay $0x3  }
0x9c: {  	_ =	strace s4  }
0x9d: {  	_ =	strace $0x8FFFFFFF  }
0x9e: {  	s19 =	sld [smem:$0x3FDB];
	_ =	sdelay $0x1  }
0x9f: {  	s5 =	simm.s32 $_scs_section_size  }
0xa0: {  	s6 =	simm.s32 $_size__tile_overlayer_lowered;
	s7 =	simm.s32 $_tile_overlayer_lowered  }
0xa1: {  	s22 =	simm.s32 $0x1BFF;
	s21 =	sshll.u32 s7, $0x1;
	s4 =	sadd.s32 s5, s19  }
0xa2: {  	s8 =	simm.s32 $0x0;
	s20 =	sshll.u32 s6, $0x1;
	s6 =	sadd.s32 s21, s4  }
0xa3: {  	[timem:s8], [sflag:s22] =	dma.local [hbm:s6], s20  }
0xa4: {  	_ =	swait.ge [sflag:s22], s20  }
0xa5: {  	s5 =	ssub.s32 $0x0, s20;
	[sflag:s22] =	ssyncset.done $0x0  }
0xa6: {  	[sflag:s22] =	ssyncadd.s32 s5;
	_ =	sdelay $0x1  }
0xa7: {  	s23 =	simm.s32 $0x1B8B  }
0xa8: {  	_ =	swait.ge [sflag:s23], $0x1  }
0xa9: {  	[sflag:s23] =	ssyncset.done $0x0  }
0xaa: {  	s25 =	simm.s32 $0x1B8E;
	s24 =	sld [smem:$0x3FFE];
	[sflag:s23] =	ssyncadd.s32 $0xFFFFFFFF  }
0xab: {  	s26 =	simm.s32 $execute0_lowered;
	[smem:$0x3FD2] =	sst s25  }
0xac: {  	s6 =	sshll.u32 s26, $0x1;
	_ =	strace $0x80000046;
	[dreg:$0x1] =	wrdreg $0xFFFFFFFF  }
0xad: {  	s28 =	simm.s32 $_size_execute0_lowered;
	s4 =	sadd.s32 s4, s6;
	[dreg:$0x0] =	wrdreg $0x0  }
0xae: {  	s6 =	sshll.u32 s28, $0x1;
	[dreg:$0x2] =	wrdreg s4  }
0xaf: {  	[dreg:$0x3] =	wrdreg s6  }
0xb0: {  	[dreg:$0x4] =	wrdreg $0xC0  }
0xb1: {  	_ =	task [dreg:s8], $0x5FFFF  }
0xb2: {  	[dreg:$0x1] =	wrdreg $0xFFFFFFFF  }
0xb3: {  	[dreg:$0x0] =	wrdreg $0x60  }
0xb4: {  	[dreg:$0x2] =	wrdreg s16  }
0xb5: {  	[dreg:$0x3] =	wrdreg s17  }
0xb6: {  	[dreg:$0x4] =	wrdreg s24  }
0xb7: {  	[dreg:$0x5] =	wrdreg $0x9  }
0xb8: {  	_ =	task.clear_ibuf [dreg:s8], $0x6FFFF;
	_ =	strace $0x90000046  }
0xb9: {  	s29 =	simm.s32 $0x9;
	_ =	strace $0x80000048  }
0xba: {  	_ =	swait.ge [sflag:s29], $0x1  }
0xbb: {  	[sflag:s29] =	ssyncadd.s32 $0xFFFFFFFF  }
0xbc: {  	_ =	strace $0x90000048  }
0xbd: {  	_ =	sfence  }
0xbe: {  	s30 =	sld [smem:$0x0];
	_ =	sdelay $0x2  }
0xbf: {  	s31 =	sshll.u32 s1, $0xD;
	s1 =	sshrl.u32 s1, $0x2  }
0xc0: {  	s3 =	sand.u32 $0x4000, s31;
	s1 =	sadd.s32 s1, s30  }
0xc1: {  	s0 =	sor.u32 s3, s0;
	s1 =	sshll.u32 s1, $0x11  }
0xc2: {  	s0 =	sor.u32 s1, s0  }
0xc3: {  	s0 =	sadd.s32 $0x8F2B, s0  }
0xc4: {  	[sflag:s0] =	ssyncadd.remote.s32 $0x1  }
0xc5: {  	_ =	sfence.sel $0xFFFF  }
0xc6: {  	[dreg:$0x0] =	wrdreg $0xFFFFFFFF;
	(pc) =	sbr.abs _section_cstart, $3  }
0xc7: {  	[dreg:$0x1] =	wrdreg $0xFFFFFFFF  }
0xc8: {  	_ =	task.clear_ibuf [dreg:s8], $0x2FFFF;
	_ =	strace $0x9FFFFFFF  }
0xc9: {  	(tm) =	ssettm $0x7FFFFFFF  }
tec
execute0_lowered:
.L_overlay_start_1:
0x0: {  	(tag) =	ssettag $0x1  }
0x1: {  	s1 =	rddreg [dreg:$0x0];
	s2 =	srdreg.scid  }
0x2: {  	s4 =	rddreg [dreg:$0x1];
	s0 =	stileid.u32  }
0x3: {  	s8 =	rddreg [dreg:$0x2];
	s3 =	simm.s32 $0x0;
	s6 =	sand.u32 $0x1, s2  }
0x4: {  	s5 =	sshll.u32 s0, $0x9;
	s2 =	rddreg [dreg:$0x3];
	s7 =	sshll.u32 s6, $0x8  }
0x5: {  	[smem:$0x7FF] =	sst s3;
	s9 =	sor.u32 s7, s5  }
0x6: {  	_ =	strace $0x80000047;
	s10 =	ssub.s32 $0x2, s6;
	s5 =	sshrl.u32 s9, $0x3  }
0x7: {  	s6 =	simm.s32 $0x100;
	s5 =	sadd.s32 s4, s5;
	s4 =	simm.s32 $0x2  }
0x8: {  	[tilespmem:s3], [sflag:$0x2] =	stream.linear.gather [hbm4b:s5+s3], $0x100, $0x38;
	[tilespmem:$0x2100] =	vst v63  }
0x9: {  	s7 =	simm.s32 $0x1;
	s11 =	sshrl.u32 s10, $0x1;
	_ =	swait.ge [sflag:s4], $0x100  }
0xa: {  	s9 =	sshll.u32 s9, $0x2;
	s31 =	ssub.s32 s10, s11;
	[sflag:s4] =	ssyncset.done $0x0  }
0xb: {  	s8 =	sadd.s32 s9, s8;
	s9 =	smax.u32 s31, $0x1;
	[sflag:s4] =	ssyncadd.s32 $0xFFFFFF00  }
0xc: {  	[tilespmem:s6], [sflag:$0x1] =	stream.indirect.gather [hbm4b:s1+s6], $0x20, s3, s6, $0xb8;
	[tilespmem:$0x2100] =	vst v63  }
0xd: {  	p0 =	sne.s32 s9, $0x1;
	_ =	swait.ge [sflag:s7], $0x2000  }
.Ltmp0:
0xe: {  	[sflag:s7] =	ssyncset.done $0x0;
	(pc) =	sbr.rel @!p0 .LBB2_2-.Ltmp0, $4  }
0xf: {  	s8 =	sadd.s32 $0xA00, s8;
	[sflag:s7] =	ssyncadd.s32 $0xFFFFE000  }
0x10: {  	[hbm4b:s8+s3] =	stream.linear.scatter [tilespmem:s6], [sflag:$0x2], $0x2000, $0x38;
	[tilespmem:$0x2100] =	vst v63  }
0x11: {  	_ =	swait.ge [sflag:s4], $0x2000  }
0x12: {  	s9 =	sadd.s32 $0xFFFFFFFF, s9;
	[sflag:s4] =	ssyncset.done $0x0  }
.LBB2_1:
0x13: {  	p0 =	sne.s32 s9, $0x1;
	s9 =	sadd.s32 $0xFFFFFFFF, s9;
	[sflag:s4] =	ssyncadd.s32 $0xFFFFE000  }
0x14: {  	[tilespmem:s3], [sflag:$0x2] =	stream.linear.gather [hbm4b:s5+s3], $0x100, $0x38;
	[tilespmem:$0x2100] =	vst v63  }
0x15: {  	_ =	swait.ge [sflag:s4], $0x100  }
0x16: {  	[sflag:s4] =	ssyncset.done $0x0  }
0x17: {  	[sflag:s4] =	ssyncadd.s32 $0xFFFFFF00  }
0x18: {  	[tilespmem:s6], [sflag:$0x1] =	stream.indirect.gather [hbm4b:s1+s6], $0x20, s3, s6, $0xb8;
	[tilespmem:$0x2100] =	vst v63  }
0x19: {  	_ =	swait.ge [sflag:s7], $0x2000  }
.Ltmp1:
0x1a: {  	[sflag:s7] =	ssyncset.done $0x0;
	(pc) =	sbr.rel @p0 .LBB2_1-.Ltmp1, $4  }
0x1b: {  	[sflag:s7] =	ssyncadd.s32 $0xFFFFE000  }
0x1c: {  	[hbm4b:s8+s3] =	stream.linear.scatter [tilespmem:s6], [sflag:$0x2], $0x2000, $0x38;
	[tilespmem:$0x2100] =	vst v63  }
0x1d: {  	_ =	swait.ge [sflag:s4], $0x2000  }
0x1e: {  	[sflag:s4] =	ssyncset.done $0x0  }
.LBB2_2:
0x1f: {  	[sflag:s4] =	ssyncadd.s32 $0xFFFFE000  }
0x20: {  	_ =	sfence.sel $0x180000  }
0x21: {  	[bflag:$0x0] =	sbarrier.arrive $0xFFFF  }
0x22: {  	p0 =	sne.s32 s0, $0x0;
	_ =	strace $0x90000047  }
0x23: {  	s0 =	sadd.s32 @!p0 $0x100000, s2;
	[bflag:$0x2] =	sbarrier.arrive $0xFFFF  }
0x24: {  	[sflag:s0] =	ssyncadd.tile.s32 @!p0 $0x1;
	_ =	shalt  }
.Lfunc_end2:
_tile_overlayer_lowered:
.L_overlay_start_2:
0x25: {  	(tag) =	ssettag $0x2  }
0x26: {  	s0 =	rddreg [dreg:$0x0];
	s2 =	stileid.u32  }
0x27: {  	s1 =	rddreg [dreg:$0x1];
	p0 =	sne.s32 s2, $0x0  }
0x28: {  	s3 =	rddreg [dreg:$0x2];
	[bflag:$0x3] =	sbarrier.arrive $0xFFFF;
	s2 =	simm.s32 @!p0 $0x1C02  }
0x29: {  	[timem:s3], [sflag:s2] =	dma.local @!p0 [hbm:s0], s1  }
0x2a: {  	s0 =	simm.s32 @!p0 $0x2  }
0x2b: {  	_ =	swait.ge @!p0 [sflag:s0], s1  }
0x2c: {  	s1 =	ssub.s32 @!p0 $0x0, s1;
	[sflag:s0] =	ssyncset.done @!p0 $0x0  }
0x2d: {  	[sflag:s0] =	ssyncadd.s32 @!p0 s1  }
0x2e: {  	[bflag:$0x3] =	sbarrier.arrive $0xFFFF  }
0x2f: {  	_ =	shalt  }

</sc_bundles>
